<compile_context>
chip_gen: v7x
topology: tpu7x:2x2x1
jax: 0.10.2.dev20260603
libtpu: 0.0.44.dev20260713+nightly
codegen_flags: <defaults>
</compile_context>

<pallas_src>
import functools

import numpy as np
import jax
import jax.numpy as jnp
from jax import lax
from jax.experimental import pallas as pl
from jax.experimental.pallas import tpu as pltpu
from jax.experimental.pallas import tpu_sc as plsc

_NUM_ITERATIONS = 10000
_DROP_RATE = 0.2
_N = 1048576
_ROWS = 8192
_COLS = 128

_DROP = float(np.linspace(0.0, _DROP_RATE, _NUM_ITERATIONS)[5000])
_K = int((1.0 - _DROP) * _N)

_NB = 8192
_NW = 32
_SUB = 131072
_CH = _SUB // _NW
_K_SUB = _K * (_SUB / _N)
_WIN = 16


def _prep_body(y_ref, t_ref, loss_ref, bits_ref):
    y = y_ref[...]
    t = t_ref[...]
    loss = jnp.maximum(y, 0.0) - y * t + jnp.log1p(jnp.exp(-jnp.abs(y)))
    loss_ref[...] = loss
    bits_ref[...] = jax.lax.shift_right_logical(
        jax.lax.bitcast_convert_type(loss * t, jnp.int32), 16
    )


def _sc_hist_body(bits_hbm, cnt_out, bits_v, cnt_v, sem1):
    wid = lax.axis_index("s") * 2 + lax.axis_index("c")
    base = wid * _CH
    cp1 = pltpu.async_copy(bits_hbm.at[pl.ds(base, _CH)], bits_v, sem1)

    zero = jnp.zeros((16,), jnp.float32)

    def zbody(i, c):
        for u in range(8):
            cnt_v[pl.ds(i * 128 + u * 16, 16)] = zero
        return c

    lax.fori_loop(0, _NB // 128, zbody, 0)

    cp1.wait()

    ones = jnp.ones((16,), jnp.float32)

    def body(i, c):
        for u in range(8):
            idx = lax.shift_right_logical(bits_v[pl.ds(i * 128 + u * 16, 16)], 3)
            plsc.addupdate_scatter(cnt_v, [idx], ones)
        return c

    lax.fori_loop(0, _CH // 128, body, 0)

    pltpu.sync_copy(cnt_v, cnt_out.at[wid])


def _finish_body(cnt_ref, loss_ref, bits_ref, out_ref):
    cnt = jnp.sum(cnt_ref[...], axis=0)
    b_idx = (
        lax.broadcasted_iota(jnp.int32, (_NB // 128, 128), 0) * 128
        + lax.broadcasted_iota(jnp.int32, (_NB // 128, 128), 1)
    )
    ksub = jnp.float32(_K_SUB)

    def search_step(_, lohi):
        lo, hi = lohi
        mid = lo + (hi - lo) // 2
        c = jnp.sum(jnp.where(b_idx <= mid, cnt, 0.0))
        ge = c >= ksub
        return (jnp.where(ge, lo, mid + 1), jnp.where(ge, mid, hi))

    lo, _ = lax.fori_loop(0, 13, search_step, (jnp.int32(0), jnp.int32(_NB - 1)))
    cut16 = lo * 8

    bits = bits_ref[...]
    loss = loss_ref[...]
    less = bits < cut16
    win = jnp.logical_and(bits >= cut16 - _WIN, bits < cut16 + _WIN)
    kk = jnp.float32(_K)
    sum_less = jnp.sum(jnp.where(less, loss, 0.0))
    cnt_less = jnp.sum(less.astype(jnp.float32))
    sum_win = jnp.sum(jnp.where(win, loss, 0.0))
    cnt_win = jnp.sum(win.astype(jnp.float32))
    need = kk - cnt_less
    out_ref[0, 0] = (sum_less + need * sum_win / jnp.maximum(cnt_win, 1.0)) / kk


def kernel(y, t, n_iterations):
    del n_iterations
    y2 = y.reshape(_ROWS, _COLS)
    t2 = t.reshape(_ROWS, _COLS)
    loss2, bits2 = pl.pallas_call(
        _prep_body,
        out_shape=[
            jax.ShapeDtypeStruct((_ROWS, _COLS), jnp.float32),
            jax.ShapeDtypeStruct((_ROWS, _COLS), jnp.int32),
        ],
        in_specs=[
            pl.BlockSpec((_ROWS, _COLS), lambda: (0, 0)),
            pl.BlockSpec((_ROWS, _COLS), lambda: (0, 0)),
        ],
        out_specs=[
            pl.BlockSpec((_ROWS, _COLS), lambda: (0, 0)),
            pl.BlockSpec((_ROWS, _COLS), lambda: (0, 0)),
        ],
    )(y2, t2)

    mesh = plsc.VectorSubcoreMesh(core_axis_name="c", subcore_axis_name="s")
    sc_hist = functools.partial(
        pl.kernel,
        mesh=mesh,
        compiler_params=pltpu.CompilerParams(needs_layout_passes=False),
        out_type=jax.ShapeDtypeStruct((_NW, _NB), jnp.float32),
        scratch_types=[
            pltpu.VMEM((_CH,), jnp.int32),
            pltpu.VMEM((_NB,), jnp.float32),
            pltpu.SemaphoreType.DMA,
        ],
    )(_sc_hist_body)
    cnt_h = sc_hist(bits2.reshape(_N))

    out = pl.pallas_call(
        _finish_body,
        out_shape=jax.ShapeDtypeStruct((1, 1), jnp.float32),
        in_specs=[
            pl.BlockSpec((_NW, _NB // 128, 128), lambda: (0, 0, 0)),
            pl.BlockSpec((_ROWS, _COLS), lambda: (0, 0)),
            pl.BlockSpec((_ROWS, _COLS), lambda: (0, 0)),
        ],
        out_specs=pl.BlockSpec(memory_space=pltpu.SMEM),
    )(cnt_h.reshape(_NW, _NB // 128, 128), loss2, bits2)
    return out[0, 0]

# --- scband reference (transcript-rebuilt; emitter-appended) ---
"""Pipeline reference for scband-tce-loss-85289460564077 (READ-ONLY COPY).

The authoritative reference and input builder live on the scoring server;
editing this copy changes nothing except your own understanding.
"""

import jax, jax.numpy as jnp
import numpy as np

NUM_ITERATIONS = 10000
DROP_RATE = 0.2
EXPONENT = 1
N = 1048576


def _bce_logits(y, t):
    # elementwise binary_cross_entropy_with_logits, reduction='none'
    return jnp.clip(y, 0.0, None) - y * t + jnp.log1p(jnp.exp(-jnp.abs(y)))


def setup_inputs(seed: int = 0) -> dict:
    key = jax.random.key(seed)
    k1, k2 = jax.random.split(key)
    y = jax.random.normal(k1, (N,), dtype=jnp.float32)
    t = jax.random.uniform(k2, (N,), dtype=jnp.float32)
    return {"y": y, "t": t, "n_iterations": 5000}


def reference(y, t, n_iterations):
    # drop_rate_schedule
    drop_rate_ls = np.linspace(0.0, DROP_RATE ** EXPONENT, NUM_ITERATIONS)
    drop_rate = float(drop_rate_ls[5000])
    idx = jnp.clip(n_iterations, 0, NUM_ITERATIONS - 1)
    drop_rate_traced = jnp.where(
        n_iterations < NUM_ITERATIONS,
        jnp.asarray(drop_rate_ls, dtype=jnp.float32)[idx],
        jnp.float32(DROP_RATE),
    )

    loss = _bce_logits(y, t)
    loss_mul = loss * t
    ind_sorted = jnp.argsort(loss_mul)  # ascending, matches np.argsort
    remember_rate = 1.0 - drop_rate
    num_remember = int(remember_rate * y.shape[0])
    ind_update = ind_sorted[:num_remember]
    # F.binary_cross_entropy_with_logits with default reduction='mean', pos_weight=None
    loss_update = jnp.mean(_bce_logits(y[ind_update], t[ind_update]))
    return loss_update + 0.0 * drop_rate_traced

if __name__ == "__main__":
    import jax
    _d = setup_inputs()
    print(jax.jit(kernel)(*tuple(_d.values())))

</pallas_src>

<mosaic_0001>
#map = affine_map<(d0, d1) -> (0)>
#map1 = affine_map<(d0, d1) -> (0, 0)>
module attributes {stable_mosaic.version = 14 : i64} {
  func.func @_sc_hist_body(%arg0: i32, %arg1: i32, %arg2: memref<1048576xi32, #tpu.memory_space<hbm>>, %arg3: memref<32x8192xf32, #tpu.memory_space<hbm>>, %arg4: memref<4096xi32, #tpu.memory_space<vmem>>, %arg5: memref<8192xf32, #tpu.memory_space<vmem>>, %arg6: memref<!tpu.dma_semaphore, #tpu.memory_space<semaphore_mem>>) attributes {dimension_semantics = [#tpu.dimension_semantics<core_parallel>, #tpu.dimension_semantics<subcore_parallel>], iteration_bounds = array<i64: 2, 16>, scalar_prefetch = 0 : i64, scratch_operands = 3 : i64, tpu.core_type = #tpu.core_type<sc_vector_subcore>, window_params = [{transform_indices = #map}, {transform_indices = #map1}]} {
    %mul3A = arith.constant 2 : i32
    %mul3A_0 = arith.muli %arg1, %mul3A : i32
    %add3A = arith.addi %mul3A_0, %arg0 : i32
    %mul3A_1 = arith.constant 4096 : i32
    %mul3A_2 = arith.muli %add3A, %mul3A_1 : i32
    %dma_start3A = tpu.memref_slice %arg2[%mul3A_2] : memref<1048576xi32, #tpu.memory_space<hbm>> -> memref<4096xi32, #tpu.memory_space<hbm>>
    %dma_start3A_3 = tpu.memref_slice %arg2[%mul3A_2] : memref<1048576xi32, #tpu.memory_space<hbm>> -> memref<4096xi32, #tpu.memory_space<hbm>>
    tpu.enqueue_dma source(%dma_start3A_3 : memref<4096xi32, #tpu.memory_space<hbm>>) target(%arg4 : memref<4096xi32, #tpu.memory_space<vmem>>) target_semaphore(%arg6 : memref<!tpu.dma_semaphore, #tpu.memory_space<semaphore_mem>>)
    %broadcast_in_dim3A = arith.constant 0.000000e+00 : f32
    %broadcast_in_dim3A_4 = vector.broadcast %broadcast_in_dim3A : f32 to vector<16xf32>
    %scan3A = arith.constant 0 : i32
    %scan3A_5 = arith.constant 0 : i32
    %scan3A_6 = arith.constant 64 : i32
    %scan3A_7 = arith.addi %scan3A_5, %scan3A_6 : i32
    %scan3A_8 = arith.constant 1 : i32
    scf.for %scan3A_19 = %scan3A_5 to %scan3A_7 step %scan3A_8  : i32 {
      %mul3A_20 = arith.constant 128 : i32
      %mul3A_21 = arith.muli %scan3A_19, %mul3A_20 : i32
      %add3A_22 = arith.constant 0 : i32
      %add3A_23 = arith.addi %mul3A_21, %add3A_22 : i32
      %swap3A = arith.index_cast %add3A_23 : i32 to index
      %swap3A_24 = tpu.vector_load %arg5[%swap3A] {strides = array<i32>} : memref<8192xf32, #tpu.memory_space<vmem>>, vector<16xf32>,
      tpu.vector_store %arg5[%swap3A], %broadcast_in_dim3A_4 {strides = array<i32>} : memref<8192xf32, #tpu.memory_space<vmem>>, vector<16xf32>,
      %mul3A_25 = arith.constant 128 : i32
      %mul3A_26 = arith.muli %scan3A_19, %mul3A_25 : i32
      %add3A_27 = arith.constant 16 : i32
      %add3A_28 = arith.addi %mul3A_26, %add3A_27 : i32
      %swap3A_29 = arith.index_cast %add3A_28 : i32 to index
      %swap3A_30 = tpu.vector_load %arg5[%swap3A_29] {strides = array<i32>} : memref<8192xf32, #tpu.memory_space<vmem>>, vector<16xf32>,
      tpu.vector_store %arg5[%swap3A_29], %broadcast_in_dim3A_4 {strides = array<i32>} : memref<8192xf32, #tpu.memory_space<vmem>>, vector<16xf32>,
      %mul3A_31 = arith.constant 128 : i32
      %mul3A_32 = arith.muli %scan3A_19, %mul3A_31 : i32
      %add3A_33 = arith.constant 32 : i32
      %add3A_34 = arith.addi %mul3A_32, %add3A_33 : i32
      %swap3A_35 = arith.index_cast %add3A_34 : i32 to index
      %swap3A_36 = tpu.vector_load %arg5[%swap3A_35] {strides = array<i32>} : memref<8192xf32, #tpu.memory_space<vmem>>, vector<16xf32>,
      tpu.vector_store %arg5[%swap3A_35], %broadcast_in_dim3A_4 {strides = array<i32>} : memref<8192xf32, #tpu.memory_space<vmem>>, vector<16xf32>,
      %mul3A_37 = arith.constant 128 : i32
      %mul3A_38 = arith.muli %scan3A_19, %mul3A_37 : i32
      %add3A_39 = arith.constant 48 : i32
      %add3A_40 = arith.addi %mul3A_38, %add3A_39 : i32
      %swap3A_41 = arith.index_cast %add3A_40 : i32 to index
      %swap3A_42 = tpu.vector_load %arg5[%swap3A_41] {strides = array<i32>} : memref<8192xf32, #tpu.memory_space<vmem>>, vector<16xf32>,
      tpu.vector_store %arg5[%swap3A_41], %broadcast_in_dim3A_4 {strides = array<i32>} : memref<8192xf32, #tpu.memory_space<vmem>>, vector<16xf32>,
      %mul3A_43 = arith.constant 128 : i32
      %mul3A_44 = arith.muli %scan3A_19, %mul3A_43 : i32
      %add3A_45 = arith.constant 64 : i32
      %add3A_46 = arith.addi %mul3A_44, %add3A_45 : i32
      %swap3A_47 = arith.index_cast %add3A_46 : i32 to index
      %swap3A_48 = tpu.vector_load %arg5[%swap3A_47] {strides = array<i32>} : memref<8192xf32, #tpu.memory_space<vmem>>, vector<16xf32>,
      tpu.vector_store %arg5[%swap3A_47], %broadcast_in_dim3A_4 {strides = array<i32>} : memref<8192xf32, #tpu.memory_space<vmem>>, vector<16xf32>,
      %mul3A_49 = arith.constant 128 : i32
      %mul3A_50 = arith.muli %scan3A_19, %mul3A_49 : i32
      %add3A_51 = arith.constant 80 : i32
      %add3A_52 = arith.addi %mul3A_50, %add3A_51 : i32
      %swap3A_53 = arith.index_cast %add3A_52 : i32 to index
      %swap3A_54 = tpu.vector_load %arg5[%swap3A_53] {strides = array<i32>} : memref<8192xf32, #tpu.memory_space<vmem>>, vector<16xf32>,
      tpu.vector_store %arg5[%swap3A_53], %broadcast_in_dim3A_4 {strides = array<i32>} : memref<8192xf32, #tpu.memory_space<vmem>>, vector<16xf32>,
      %mul3A_55 = arith.constant 128 : i32
      %mul3A_56 = arith.muli %scan3A_19, %mul3A_55 : i32
      %add3A_57 = arith.constant 96 : i32
      %add3A_58 = arith.addi %mul3A_56, %add3A_57 : i32
      %swap3A_59 = arith.index_cast %add3A_58 : i32 to index
      %swap3A_60 = tpu.vector_load %arg5[%swap3A_59] {strides = array<i32>} : memref<8192xf32, #tpu.memory_space<vmem>>, vector<16xf32>,
      tpu.vector_store %arg5[%swap3A_59], %broadcast_in_dim3A_4 {strides = array<i32>} : memref<8192xf32, #tpu.memory_space<vmem>>, vector<16xf32>,
      %mul3A_61 = arith.constant 128 : i32
      %mul3A_62 = arith.muli %scan3A_19, %mul3A_61 : i32
      %add3A_63 = arith.constant 112 : i32
      %add3A_64 = arith.addi %mul3A_62, %add3A_63 : i32
      %swap3A_65 = arith.index_cast %add3A_64 : i32 to index
      %swap3A_66 = tpu.vector_load %arg5[%swap3A_65] {strides = array<i32>} : memref<8192xf32, #tpu.memory_space<vmem>>, vector<16xf32>,
      tpu.vector_store %arg5[%swap3A_65], %broadcast_in_dim3A_4 {strides = array<i32>} : memref<8192xf32, #tpu.memory_space<vmem>>, vector<16xf32>,
    }
    %scan3A_9 = arith.constant 64 : i32
    %dma_wait3A = tpu.memref_slice %arg2[%mul3A_2] : memref<1048576xi32, #tpu.memory_space<hbm>> -> memref<4096xi32, #tpu.memory_space<hbm>>
    %dma_wait3A_10 = tpu.memref_slice %arg2[%mul3A_2] : memref<1048576xi32, #tpu.memory_space<hbm>> -> memref<4096xi32, #tpu.memory_space<hbm>>
    tpu.wait_dma2 semaphore(%arg6 : memref<!tpu.dma_semaphore, #tpu.memory_space<semaphore_mem>>) src(%dma_wait3A_10 : memref<4096xi32, #tpu.memory_space<hbm>>) dst(%arg4 : memref<4096xi32, #tpu.memory_space<vmem>>)
    %broadcast_in_dim3A_11 = arith.constant 1.000000e+00 : f32
    %broadcast_in_dim3A_12 = vector.broadcast %broadcast_in_dim3A_11 : f32 to vector<16xf32>
    %scan3A_13 = arith.constant 0 : i32
    %scan3A_14 = arith.constant 0 : i32
    %scan3A_15 = arith.constant 32 : i32
    %scan3A_16 = arith.addi %scan3A_14, %scan3A_15 : i32
    %scan3A_17 = arith.constant 1 : i32
    scf.for %scan3A_19 = %scan3A_14 to %scan3A_16 step %scan3A_17  : i32 {
      %mul3A_20 = arith.constant 128 : i32
      %mul3A_21 = arith.muli %scan3A_19, %mul3A_20 : i32
      %add3A_22 = arith.constant 0 : i32
      %add3A_23 = arith.addi %mul3A_21, %add3A_22 : i32
      %get3A = arith.index_cast %add3A_23 : i32 to index
      %get3A_24 = tpu.vector_load %arg4[%get3A] {strides = array<i32>} : memref<4096xi32, #tpu.memory_space<vmem>>, vector<16xi32>,
      %shift_right_logical3A = arith.constant 3 : i32
      %shift_right_logical3A_25 = vector.broadcast %shift_right_logical3A : i32 to vector<16xi32>
      %shift_right_logical3A_26 = arith.shrui %get3A_24, %shift_right_logical3A_25 : vector<16xi32>
      tpu.vector_store_idx %arg5[%shift_right_logical3A_26], %broadcast_in_dim3A_12 {add = true} : memref<8192xf32, #tpu.memory_space<vmem>>[vector<16xi32>], vector<16xf32>,
      %mul3A_27 = arith.constant 128 : i32
      %mul3A_28 = arith.muli %scan3A_19, %mul3A_27 : i32
      %add3A_29 = arith.constant 16 : i32
      %add3A_30 = arith.addi %mul3A_28, %add3A_29 : i32
      %get3A_31 = arith.index_cast %add3A_30 : i32 to index
      %get3A_32 = tpu.vector_load %arg4[%get3A_31] {strides = array<i32>} : memref<4096xi32, #tpu.memory_space<vmem>>, vector<16xi32>,
      %shift_right_logical3A_33 = arith.constant 3 : i32
      %shift_right_logical3A_34 = vector.broadcast %shift_right_logical3A_33 : i32 to vector<16xi32>
      %shift_right_logical3A_35 = arith.shrui %get3A_32, %shift_right_logical3A_34 : vector<16xi32>
      tpu.vector_store_idx %arg5[%shift_right_logical3A_35], %broadcast_in_dim3A_12 {add = true} : memref<8192xf32, #tpu.memory_space<vmem>>[vector<16xi32>], vector<16xf32>,
      %mul3A_36 = arith.constant 128 : i32
      %mul3A_37 = arith.muli %scan3A_19, %mul3A_36 : i32
      %add3A_38 = arith.constant 32 : i32
      %add3A_39 = arith.addi %mul3A_37, %add3A_38 : i32
      %get3A_40 = arith.index_cast %add3A_39 : i32 to index
      %get3A_41 = tpu.vector_load %arg4[%get3A_40] {strides = array<i32>} : memref<4096xi32, #tpu.memory_space<vmem>>, vector<16xi32>,
      %shift_right_logical3A_42 = arith.constant 3 : i32
      %shift_right_logical3A_43 = vector.broadcast %shift_right_logical3A_42 : i32 to vector<16xi32>
      %shift_right_logical3A_44 = arith.shrui %get3A_41, %shift_right_logical3A_43 : vector<16xi32>
      tpu.vector_store_idx %arg5[%shift_right_logical3A_44], %broadcast_in_dim3A_12 {add = true} : memref<8192xf32, #tpu.memory_space<vmem>>[vector<16xi32>], vector<16xf32>,
      %mul3A_45 = arith.constant 128 : i32
      %mul3A_46 = arith.muli %scan3A_19, %mul3A_45 : i32
      %add3A_47 = arith.constant 48 : i32
      %add3A_48 = arith.addi %mul3A_46, %add3A_47 : i32
      %get3A_49 = arith.index_cast %add3A_48 : i32 to index
      %get3A_50 = tpu.vector_load %arg4[%get3A_49] {strides = array<i32>} : memref<4096xi32, #tpu.memory_space<vmem>>, vector<16xi32>,
      %shift_right_logical3A_51 = arith.constant 3 : i32
      %shift_right_logical3A_52 = vector.broadcast %shift_right_logical3A_51 : i32 to vector<16xi32>
      %shift_right_logical3A_53 = arith.shrui %get3A_50, %shift_right_logical3A_52 : vector<16xi32>
      tpu.vector_store_idx %arg5[%shift_right_logical3A_53], %broadcast_in_dim3A_12 {add = true} : memref<8192xf32, #tpu.memory_space<vmem>>[vector<16xi32>], vector<16xf32>,
      %mul3A_54 = arith.constant 128 : i32
      %mul3A_55 = arith.muli %scan3A_19, %mul3A_54 : i32
      %add3A_56 = arith.constant 64 : i32
      %add3A_57 = arith.addi %mul3A_55, %add3A_56 : i32
      %get3A_58 = arith.index_cast %add3A_57 : i32 to index
      %get3A_59 = tpu.vector_load %arg4[%get3A_58] {strides = array<i32>} : memref<4096xi32, #tpu.memory_space<vmem>>, vector<16xi32>,
      %shift_right_logical3A_60 = arith.constant 3 : i32
      %shift_right_logical3A_61 = vector.broadcast %shift_right_logical3A_60 : i32 to vector<16xi32>
      %shift_right_logical3A_62 = arith.shrui %get3A_59, %shift_right_logical3A_61 : vector<16xi32>
      tpu.vector_store_idx %arg5[%shift_right_logical3A_62], %broadcast_in_dim3A_12 {add = true} : memref<8192xf32, #tpu.memory_space<vmem>>[vector<16xi32>], vector<16xf32>,
      %mul3A_63 = arith.constant 128 : i32
      %mul3A_64 = arith.muli %scan3A_19, %mul3A_63 : i32
      %add3A_65 = arith.constant 80 : i32
      %add3A_66 = arith.addi %mul3A_64, %add3A_65 : i32
      %get3A_67 = arith.index_cast %add3A_66 : i32 to index
      %get3A_68 = tpu.vector_load %arg4[%get3A_67] {strides = array<i32>} : memref<4096xi32, #tpu.memory_space<vmem>>, vector<16xi32>,
      %shift_right_logical3A_69 = arith.constant 3 : i32
      %shift_right_logical3A_70 = vector.broadcast %shift_right_logical3A_69 : i32 to vector<16xi32>
      %shift_right_logical3A_71 = arith.shrui %get3A_68, %shift_right_logical3A_70 : vector<16xi32>
      tpu.vector_store_idx %arg5[%shift_right_logical3A_71], %broadcast_in_dim3A_12 {add = true} : memref<8192xf32, #tpu.memory_space<vmem>>[vector<16xi32>], vector<16xf32>,
      %mul3A_72 = arith.constant 128 : i32
      %mul3A_73 = arith.muli %scan3A_19, %mul3A_72 : i32
      %add3A_74 = arith.constant 96 : i32
      %add3A_75 = arith.addi %mul3A_73, %add3A_74 : i32
      %get3A_76 = arith.index_cast %add3A_75 : i32 to index
      %get3A_77 = tpu.vector_load %arg4[%get3A_76] {strides = array<i32>} : memref<4096xi32, #tpu.memory_space<vmem>>, vector<16xi32>,
      %shift_right_logical3A_78 = arith.constant 3 : i32
      %shift_right_logical3A_79 = vector.broadcast %shift_right_logical3A_78 : i32 to vector<16xi32>
      %shift_right_logical3A_80 = arith.shrui %get3A_77, %shift_right_logical3A_79 : vector<16xi32>
      tpu.vector_store_idx %arg5[%shift_right_logical3A_80], %broadcast_in_dim3A_12 {add = true} : memref<8192xf32, #tpu.memory_space<vmem>>[vector<16xi32>], vector<16xf32>,
      %mul3A_81 = arith.constant 128 : i32
      %mul3A_82 = arith.muli %scan3A_19, %mul3A_81 : i32
      %add3A_83 = arith.constant 112 : i32
      %add3A_84 = arith.addi %mul3A_82, %add3A_83 : i32
      %get3A_85 = arith.index_cast %add3A_84 : i32 to index
      %get3A_86 = tpu.vector_load %arg4[%get3A_85] {strides = array<i32>} : memref<4096xi32, #tpu.memory_space<vmem>>, vector<16xi32>,
      %shift_right_logical3A_87 = arith.constant 3 : i32
      %shift_right_logical3A_88 = vector.broadcast %shift_right_logical3A_87 : i32 to vector<16xi32>
      %shift_right_logical3A_89 = arith.shrui %get3A_86, %shift_right_logical3A_88 : vector<16xi32>
      tpu.vector_store_idx %arg5[%shift_right_logical3A_89], %broadcast_in_dim3A_12 {add = true} : memref<8192xf32, #tpu.memory_space<vmem>>[vector<16xi32>], vector<16xf32>,
    }
    %scan3A_18 = arith.constant 32 : i32
    "tpu.region"() ({
      %run_scoped3A = tpu.sem_alloc : memref<!tpu.dma_semaphore, #tpu.memory_space<semaphore_mem>>
      %dma_start3A_19 = arith.constant 0 : i32
      %dma_start3A_20 = tpu.memref_slice %arg3[%add3A, %dma_start3A_19] : memref<32x8192xf32, #tpu.memory_space<hbm>> -> memref<1x8192xf32, #tpu.memory_space<hbm>>
      %dma_start3A_21 = tpu.memref_squeeze %dma_start3A_20 : memref<1x8192xf32, #tpu.memory_space<hbm>> -> memref<8192xf32, #tpu.memory_space<hbm>>
      %dma_start3A_22 = arith.constant 0 : i32
      %dma_start3A_23 = tpu.memref_slice %arg3[%add3A, %dma_start3A_22] : memref<32x8192xf32, #tpu.memory_space<hbm>> -> memref<1x8192xf32, #tpu.memory_space<hbm>>
      %dma_start3A_24 = tpu.memref_squeeze %dma_start3A_23 : memref<1x8192xf32, #tpu.memory_space<hbm>> -> memref<8192xf32, #tpu.memory_space<hbm>>
      tpu.enqueue_dma source(%arg5 : memref<8192xf32, #tpu.memory_space<vmem>>) target(%dma_start3A_24 : memref<8192xf32, #tpu.memory_space<hbm>>) target_semaphore(%run_scoped3A : memref<!tpu.dma_semaphore, #tpu.memory_space<semaphore_mem>>)
      %dma_wait3A_25 = arith.constant 0 : i32
      %dma_wait3A_26 = tpu.memref_slice %arg3[%add3A, %dma_wait3A_25] : memref<32x8192xf32, #tpu.memory_space<hbm>> -> memref<1x8192xf32, #tpu.memory_space<hbm>>
      %dma_wait3A_27 = tpu.memref_squeeze %dma_wait3A_26 : memref<1x8192xf32, #tpu.memory_space<hbm>> -> memref<8192xf32, #tpu.memory_space<hbm>>
      %dma_wait3A_28 = arith.constant 0 : i32
      %dma_wait3A_29 = tpu.memref_slice %arg3[%add3A, %dma_wait3A_28] : memref<32x8192xf32, #tpu.memory_space<hbm>> -> memref<1x8192xf32, #tpu.memory_space<hbm>>
      %dma_wait3A_30 = tpu.memref_squeeze %dma_wait3A_29 : memref<1x8192xf32, #tpu.memory_space<hbm>> -> memref<8192xf32, #tpu.memory_space<hbm>>
      tpu.wait_dma2 semaphore(%run_scoped3A : memref<!tpu.dma_semaphore, #tpu.memory_space<semaphore_mem>>) src(%arg5 : memref<8192xf32, #tpu.memory_space<vmem>>) dst(%dma_wait3A_30 : memref<8192xf32, #tpu.memory_space<hbm>>)
      tpu.yield
    }) : () -> ()
    return
  }
}

module attributes {stable_mosaic.version = 14 : i64} {
  func.func @_prep_body(%arg0: memref<8192x128xf32, #tpu.memory_space<vmem>>, %arg1: memref<8192x128xf32, #tpu.memory_space<vmem>>, %arg2: memref<8192x128xf32, #tpu.memory_space<vmem>>, %arg3: memref<8192x128xi32, #tpu.memory_space<vmem>>) attributes {dimension_semantics = [], scalar_prefetch = 0 : i64, scratch_operands = 0 : i64, tpu.core_type = #tpu.core_type<tc>} {
    %get3A = arith.constant 0 : index
    %get3A_0 = arith.constant 0 : index
    %get3A_1 = vector.load %arg0[%get3A, %get3A_0] : memref<8192x128xf32, #tpu.memory_space<vmem>>, vector<8192x128xf32>
    %get3A_2 = arith.constant 0 : index
    %get3A_3 = arith.constant 0 : index
    %get3A_4 = vector.load %arg1[%get3A_2, %get3A_3] : memref<8192x128xf32, #tpu.memory_space<vmem>>, vector<8192x128xf32>
    %max3A = arith.constant 0.000000e+00 : f32
    %max3A_5 = vector.broadcast %max3A : f32 to vector<8192x128xf32>
    %max3A_6 = arith.maximumf %get3A_1, %max3A_5 : vector<8192x128xf32>
    %mul3A = arith.mulf %get3A_1, %get3A_4 : vector<8192x128xf32>
    %sub3A = arith.subf %max3A_6, %mul3A : vector<8192x128xf32>
    %abs3A = math.absf %get3A_1 : vector<8192x128xf32>
    %neg3A = arith.constant 0.000000e+00 : f32
    %neg3A_7 = vector.broadcast %neg3A : f32 to vector<8192x128xf32>
    %neg3A_8 = arith.subf %neg3A_7, %abs3A : vector<8192x128xf32>
    %exp3A = math.exp %neg3A_8 : vector<8192x128xf32>
    %log1p3A = math.log1p %exp3A : vector<8192x128xf32>
    %add3A = arith.addf %sub3A, %log1p3A : vector<8192x128xf32>
    %swap3A = arith.constant 0 : index
    %swap3A_9 = arith.constant 0 : index
    %swap3A_10 = vector.load %arg2[%swap3A, %swap3A_9] : memref<8192x128xf32, #tpu.memory_space<vmem>>, vector<8192x128xf32>
    tpu.vector_store %arg2[%swap3A, %swap3A_9], %add3A {strides = array<i32>} : memref<8192x128xf32, #tpu.memory_space<vmem>>, vector<8192x128xf32>,
    %mul3A_11 = arith.mulf %add3A, %get3A_4 : vector<8192x128xf32>
    %bitcast_convert_type3A = tpu.bitcast %mul3A_11 : vector<8192x128xf32> -> vector<8192x128xi32>
    %shift_right_logical3A = arith.constant 16 : i32
    %shift_right_logical3A_12 = vector.broadcast %shift_right_logical3A : i32 to vector<8192x128xi32>
    %shift_right_logical3A_13 = arith.shrui %bitcast_convert_type3A, %shift_right_logical3A_12 : vector<8192x128xi32>
    %swap3A_14 = arith.constant 0 : index
    %swap3A_15 = arith.constant 0 : index
    %swap3A_16 = vector.load %arg3[%swap3A_14, %swap3A_15] : memref<8192x128xi32, #tpu.memory_space<vmem>>, vector<8192x128xi32>
    tpu.vector_store %arg3[%swap3A_14, %swap3A_15], %shift_right_logical3A_13 {strides = array<i32>} : memref<8192x128xi32, #tpu.memory_space<vmem>>, vector<8192x128xi32>,
    return
  }
}

module attributes {stable_mosaic.version = 14 : i64} {
  func.func @_finish_body(%arg0: memref<32x64x128xf32, #tpu.memory_space<vmem>>, %arg1: memref<8192x128xf32, #tpu.memory_space<vmem>>, %arg2: memref<8192x128xi32, #tpu.memory_space<vmem>>, %arg3: memref<1x1xf32, #tpu.memory_space<smem>>) attributes {dimension_semantics = [], scalar_prefetch = 0 : i64, scratch_operands = 0 : i64, tpu.core_type = #tpu.core_type<tc>} {
    %get3A = arith.constant 0 : index
    %get3A_0 = arith.constant 0 : index
    %get3A_1 = arith.constant 0 : index
    %get3A_2 = vector.load %arg0[%get3A, %get3A_0, %get3A_1] : memref<32x64x128xf32, #tpu.memory_space<vmem>>, vector<32x64x128xf32>
    %reduce_sum3A = arith.constant dense<0.000000e+00> : vector<64x128xf32>
    %reduce_sum3A_3 = vector.multi_reduction <add>, %get3A_2, %reduce_sum3A [0] : vector<32x64x128xf32> to vector<64x128xf32>
    %iota3A = tpu.iota {dimensions = array<i32: 0>} : vector<64x128xi32>
    %mul3A = arith.constant 128 : i32
    %mul3A_4 = vector.broadcast %mul3A : i32 to vector<64x128xi32>
    %mul3A_5 = arith.muli %iota3A, %mul3A_4 : vector<64x128xi32>
    %iota3A_6 = tpu.iota {dimensions = array<i32: 1>} : vector<64x128xi32>
    %add3A = arith.addi %mul3A_5, %iota3A_6 : vector<64x128xi32>
    %scan3A = arith.constant 117963.375 : f32
    %scan3A_7 = arith.constant 0 : i32
    %scan3A_8 = arith.constant 8191 : i32
    %scan3A_9 = arith.constant 0 : i32
    %scan3A_10 = arith.constant 13 : i32
    %scan3A_11 = arith.addi %scan3A_9, %scan3A_10 : i32
    %scan3A_12 = arith.constant 1 : i32
    %scan3A_13:2 = scf.for %scan3A_64 = %scan3A_9 to %scan3A_11 step %scan3A_12 iter_args(%scan3A_65 = %scan3A_7, %scan3A_66 = %scan3A_8) -> (i32, i32)  : i32 {
      %sub3A_67 = arith.subi %scan3A_66, %scan3A_65 : i32
      %jit3A_68 = arith.constant 2 : i32
      %div3A_69 = arith.divsi %sub3A_67, %jit3A_68 : i32
      %sign3A = arith.constant 0 : i32
      %sign3A_70 = arith.cmpi sgt, %sub3A_67, %sign3A : i32
      %sign3A_71 = arith.extui %sign3A_70 : i1 to i32
      %sign3A_72 = arith.constant 0 : i32
      %sign3A_73 = arith.cmpi slt, %sub3A_67, %sign3A_72 : i32
      %sign3A_74 = arith.extui %sign3A_73 : i1 to i32
      %sign3A_75 = arith.subi %sign3A_71, %sign3A_74 : i32
      %sign3A_76 = arith.constant 0 : i32
      %sign3A_77 = arith.cmpi sgt, %jit3A_68, %sign3A_76 : i32
      %sign3A_78 = arith.extui %sign3A_77 : i1 to i32
      %sign3A_79 = arith.constant 0 : i32
      %sign3A_80 = arith.cmpi slt, %jit3A_68, %sign3A_79 : i32
      %sign3A_81 = arith.extui %sign3A_80 : i1 to i32
      %sign3A_82 = arith.subi %sign3A_78, %sign3A_81 : i32
      %ne3A = arith.cmpi ne, %sign3A_75, %sign3A_82 : i32
      %rem3A = arith.remsi %sub3A_67, %jit3A_68 : i32
      %ne3A_83 = arith.constant 0 : i32
      %ne3A_84 = arith.cmpi ne, %rem3A, %ne3A_83 : i32
      %and3A_85 = arith.andi %ne3A, %ne3A_84 : i1
      %sub3A_86 = arith.constant 1 : i32
      %sub3A_87 = arith.subi %div3A_69, %sub3A_86 : i32
      %select_n3A_88 = arith.select %and3A_85, %sub3A_87, %div3A_69 : i32
      %add3A_89 = arith.addi %scan3A_65, %select_n3A_88 : i32
      %le3A = vector.broadcast %add3A_89 : i32 to vector<64x128xi32>
      %le3A_90 = arith.cmpi sle, %add3A, %le3A : vector<64x128xi32>
      %jit3A_91 = arith.constant 0.000000e+00 : f32
      %broadcast_in_dim3A_92 = vector.broadcast %jit3A_91 : f32 to vector<64x128xf32>
      %select_n3A_93 = arith.select %le3A_90, %reduce_sum3A_3, %broadcast_in_dim3A_92 : vector<64x128xi1>, vector<64x128xf32>
      %reduce_sum3A_94 = vector.shape_cast %select_n3A_93 : vector<64x128xf32> to vector<1x64x128xf32>
      %reduce_sum3A_95 = arith.constant dense<0.000000e+00> : vector<1xf32>
      %reduce_sum3A_96 = vector.multi_reduction <add>, %reduce_sum3A_94, %reduce_sum3A_95 [1, 2] : vector<1x64x128xf32> to vector<1xf32>
      %reduce_sum3A_97 = vector.shape_cast %reduce_sum3A_96 : vector<1xf32> to vector<1x1x1xf32>
      %reduce_sum3A_98 = vector.extract %reduce_sum3A_97[0, 0, 0] : f32 from vector<1x1x1xf32>
      %ge3A_99 = arith.cmpf oge, %reduce_sum3A_98, %scan3A : f32
      %add3A_100 = arith.constant 1 : i32
      %add3A_101 = arith.addi %add3A_89, %add3A_100 : i32
      %select_n3A_102 = arith.select %ge3A_99, %scan3A_65, %add3A_101 : i32
      %select_n3A_103 = arith.select %ge3A_99, %add3A_89, %scan3A_66 : i32
      scf.yield %select_n3A_102, %select_n3A_103 : i32, i32
    }
    %mul3A_14 = arith.constant 8 : i32
    %mul3A_15 = arith.muli %scan3A_13#0, %mul3A_14 : i32
    %get3A_16 = arith.constant 0 : index
    %get3A_17 = arith.constant 0 : index
    %get3A_18 = vector.load %arg2[%get3A_16, %get3A_17] : memref<8192x128xi32, #tpu.memory_space<vmem>>, vector<8192x128xi32>
    %get3A_19 = arith.constant 0 : index
    %get3A_20 = arith.constant 0 : index
    %get3A_21 = vector.load %arg1[%get3A_19, %get3A_20] : memref<8192x128xf32, #tpu.memory_space<vmem>>, vector<8192x128xf32>
    %lt3A = vector.broadcast %mul3A_15 : i32 to vector<8192x128xi32>
    %lt3A_22 = arith.cmpi slt, %get3A_18, %lt3A : vector<8192x128xi32>
    %sub3A = arith.constant 16 : i32
    %sub3A_23 = arith.subi %mul3A_15, %sub3A : i32
    %ge3A = vector.broadcast %sub3A_23 : i32 to vector<8192x128xi32>
    %ge3A_24 = arith.cmpi sge, %get3A_18, %ge3A : vector<8192x128xi32>
    %add3A_25 = arith.constant 16 : i32
    %add3A_26 = arith.addi %mul3A_15, %add3A_25 : i32
    %lt3A_27 = vector.broadcast %add3A_26 : i32 to vector<8192x128xi32>
    %lt3A_28 = arith.cmpi slt, %get3A_18, %lt3A_27 : vector<8192x128xi32>
    %and3A = arith.andi %ge3A_24, %lt3A_28 : vector<8192x128xi1>
    %jit3A = arith.constant 0.000000e+00 : f32
    %broadcast_in_dim3A = vector.broadcast %jit3A : f32 to vector<8192x128xf32>
    %select_n3A = arith.select %lt3A_22, %get3A_21, %broadcast_in_dim3A : vector<8192x128xi1>, vector<8192x128xf32>
    %reduce_sum3A_29 = vector.shape_cast %select_n3A : vector<8192x128xf32> to vector<1x8192x128xf32>
    %reduce_sum3A_30 = arith.constant dense<0.000000e+00> : vector<1xf32>
    %reduce_sum3A_31 = vector.multi_reduction <add>, %reduce_sum3A_29, %reduce_sum3A_30 [1, 2] : vector<1x8192x128xf32> to vector<1xf32>
    %reduce_sum3A_32 = vector.shape_cast %reduce_sum3A_31 : vector<1xf32> to vector<1x1x1xf32>
    %reduce_sum3A_33 = vector.extract %reduce_sum3A_32[0, 0, 0] : f32 from vector<1x1x1xf32>
    %convert_element_type3A = arith.extui %lt3A_22 : vector<8192x128xi1> to vector<8192x128xi32>
    %convert_element_type3A_34 = arith.sitofp %convert_element_type3A : vector<8192x128xi32> to vector<8192x128xf32>
    %reduce_sum3A_35 = vector.shape_cast %convert_element_type3A_34 : vector<8192x128xf32> to vector<1x8192x128xf32>
    %reduce_sum3A_36 = arith.constant dense<0.000000e+00> : vector<1xf32>
    %reduce_sum3A_37 = vector.multi_reduction <add>, %reduce_sum3A_35, %reduce_sum3A_36 [1, 2] : vector<1x8192x128xf32> to vector<1xf32>
    %reduce_sum3A_38 = vector.shape_cast %reduce_sum3A_37 : vector<1xf32> to vector<1x1x1xf32>
    %reduce_sum3A_39 = vector.extract %reduce_sum3A_38[0, 0, 0] : f32 from vector<1x1x1xf32>
    %jit3A_40 = arith.constant 0.000000e+00 : f32
    %broadcast_in_dim3A_41 = vector.broadcast %jit3A_40 : f32 to vector<8192x128xf32>
    %select_n3A_42 = arith.select %and3A, %get3A_21, %broadcast_in_dim3A_41 : vector<8192x128xi1>, vector<8192x128xf32>
    %reduce_sum3A_43 = vector.shape_cast %select_n3A_42 : vector<8192x128xf32> to vector<1x8192x128xf32>
    %reduce_sum3A_44 = arith.constant dense<0.000000e+00> : vector<1xf32>
    %reduce_sum3A_45 = vector.multi_reduction <add>, %reduce_sum3A_43, %reduce_sum3A_44 [1, 2] : vector<1x8192x128xf32> to vector<1xf32>
    %reduce_sum3A_46 = vector.shape_cast %reduce_sum3A_45 : vector<1xf32> to vector<1x1x1xf32>
    %reduce_sum3A_47 = vector.extract %reduce_sum3A_46[0, 0, 0] : f32 from vector<1x1x1xf32>
    %convert_element_type3A_48 = arith.extui %and3A : vector<8192x128xi1> to vector<8192x128xi32>
    %convert_element_type3A_49 = arith.sitofp %convert_element_type3A_48 : vector<8192x128xi32> to vector<8192x128xf32>
    %reduce_sum3A_50 = vector.shape_cast %convert_element_type3A_49 : vector<8192x128xf32> to vector<1x8192x128xf32>
    %reduce_sum3A_51 = arith.constant dense<0.000000e+00> : vector<1xf32>
    %reduce_sum3A_52 = vector.multi_reduction <add>, %reduce_sum3A_50, %reduce_sum3A_51 [1, 2] : vector<1x8192x128xf32> to vector<1xf32>
    %reduce_sum3A_53 = vector.shape_cast %reduce_sum3A_52 : vector<1xf32> to vector<1x1x1xf32>
    %reduce_sum3A_54 = vector.extract %reduce_sum3A_53[0, 0, 0] : f32 from vector<1x1x1xf32>
    %sub3A_55 = arith.constant 9.437070e+05 : f32
    %sub3A_56 = arith.subf %sub3A_55, %reduce_sum3A_39 : f32
    %mul3A_57 = arith.mulf %sub3A_56, %reduce_sum3A_47 : f32
    %max3A = arith.constant 1.000000e+00 : f32
    %max3A_58 = arith.maximumf %reduce_sum3A_54, %max3A : f32
    %div3A = arith.divf %mul3A_57, %max3A_58 : f32
    %add3A_59 = arith.addf %reduce_sum3A_33, %div3A : f32
    %div3A_60 = arith.constant 9.437070e+05 : f32
    %div3A_61 = arith.divf %add3A_59, %div3A_60 : f32
    %swap3A = arith.constant 0 : index
    %swap3A_62 = arith.constant 0 : index
    %swap3A_63 = memref.load %arg3[%swap3A, %swap3A_62] : memref<1x1xf32, #tpu.memory_space<smem>>
    memref.store %div3A_61, %arg3[%swap3A, %swap3A_62] : memref<1x1xf32, #tpu.memory_space<smem>>
    return
  }
}

</mosaic_0001>

<sc_bundles>
// kernel: kernel.5.cloned.1.call-start
scs
__scs_entry_jumppad:
0x0: {  	(pc) =	sbr.rel $0x88, $3  }
0x1: {  	(tag) =	ssettag $0x0;
	lr =	simm.s32 $0x1  }
0x2: {  	[smem:$0x3F9F] =	sst lr;
	_ =	strace $0xD0000000  }
0x3: {  	_ = 	snop  }
0x4: {  	_ = 	snop  }
0x5: {  	_ = 	snop  }
0x6: {  	_ = 	snop  }
0x7: {  	_ = 	snop  }
__scs_overlays_trampoline_lowered:
0x8: {  	[smem:$0x3FAE] =	sst s0  }
0x9: {  	[smem:$0x3FAF] =	sst s1  }
0xa: {  	[smem:$0x3FB0] =	sst s2  }
0xb: {  	[smem:$0x3FB1] =	sst s3  }
0xc: {  	[smem:$0x3FB2] =	sst s4  }
0xd: {  	[smem:$0x3FB3] =	sst s5  }
0xe: {  	[smem:$0x3FB4] =	sst s6  }
0xf: {  	[smem:$0x3FB5] =	sst s7  }
0x10: {  	[smem:$0x3FB6] =	sst s8  }
0x11: {  	[smem:$0x3FB7] =	sst s9;
	s0 =	simm.s32 @!p0 $0x0  }
0x12: {  	s1 =	sld [smem:$0x3F9D];
	s0 =	simm.s32 @p0 $0x1  }
0x13: {  	[smem:$0x3FB8] =	sst s0;
	s0 =	simm.s32 @!p1 $0x0  }
0x14: {  	s2 =	sld [smem:$0x3F9C];
	s0 =	simm.s32 @p1 $0x1  }
0x15: {  	[smem:$0x3FB9] =	sst s0;
	s0 =	simm.s32 @!p2 $0x0  }
0x16: {  	s3 =	sld [smem:$0x3FDB];
	s0 =	simm.s32 @p2 $0x1  }
0x17: {  	s4 =	simm.s32 $0x1BF5;
	[smem:$0x3FBB] =	sst s0  }
0x18: {  	s0 =	sld [smem:$0x3F9E];
	_ =	swait.ge [sflag:s4], $0x0  }
0x19: {  	s7 =	sld [smem:$0x3F9F]  }
0x1a: {  	s8 =	sadd.s32 $0xFFFFE003, lr  }
0x1b: {  	s9 =	sadd.s32 $0xFFFFFEF7, lr;
	s5 =	simm.s32 $0xFFFFFFFF;
	p2 =	slt.u32 s8, $0xFFFFF086  }
0x1c: {  	p1 =	slt.u32 s9, $0xF7A;
	s5 =	simm.s32 @!p2 $0x0  }
0x1d: {  	s5 =	simm.s32 @p1 $0x1;
	p0 =	seq.s32 s7, s2  }
0x1e: {  	s7 =	smul.u32 @!p0 $0xF7A, s2;
	p2 =	seq.s32 @!p0 s5, $0x0  }
0x1f: {  	s9 =	smul.u32 $0xF7A, s1;
	s8 =	simm.s32 @!p0 $0x1BF5;
	p2 =	por !p2, p0  }
0x20: {  	[sflag:s8] =	ssyncset.s32 @!p0 $0xFFFFF086;
	s6 =	sadd.s32 @!p0 s3, s7;
	s7 =	simm.s32 @!p0 $0x108  }
0x21: {  	s3 =	sadd.s32 s3, s9;
	s6 =	sadd.s32 @!p0 $0x88, s6;
	s7 =	simm.s32 @p2 $0x1082  }
0x22: {  	[simem:s7], [sflag:s8] =	dma.local @!p0 [hbm:s6], $0xF7A  }
0x23: {  	s9 =	sor.u32 $0xD0000000, s2;
	s6 =	simm.s32 $0x108;
	_ =	swait.ge @!p0 [sflag:s8], $0x0  }
0x24: {  	s3 =	sadd.s32 $0x88, s3;
	s6 =	simm.s32 @!p1 $0x1082;
	[sflag:s4] =	ssyncset.s32 $0xFFFFF086  }
0x25: {  	[simem:s6], [sflag:s4] =	dma.local [hbm:s3], $0xF7A  }
0x26: {  	[smem:$0x3F9F] =	sst s1;
	(tag) =	ssettag s2;
	_ =	strace s9  }
0x27: {  	s1 =	sld [smem:$0x3FAF]  }
0x28: {  	s2 =	sld [smem:$0x3FB0]  }
0x29: {  	s4 =	sld [smem:$0x3FB2]  }
0x2a: {  	p0 =	seq.s32 s5, $0x0;
	s5 =	sld [smem:$0x3FB3]  }
0x2b: {  	s6 =	sld [smem:$0x3FB4]  }
0x2c: {  	s7 =	sld [smem:$0x3FB5]  }
0x2d: {  	s3 =	simm.s32 $0x108;
	s8 =	sld [smem:$0x3FB6]  }
0x2e: {  	s3 =	simm.s32 @!p0 $0x1082;
	s9 =	sld [smem:$0x3FB7]  }
0x2f: {  	lr =	sadd.s32 s0, s3;
	s0 =	sld [smem:$0x3FAE]  }
0x30: {  	s3 =	sld [smem:$0x3FB1]  }
0x31: {  	[smem:$0x3FBA] =	sst s10  }
0x32: {  	s10 =	sld [smem:$0x3FB8];
	_ =	sdelay $0x3  }
0x33: {  	p0 =	seq.s32 s10, $0x1;
	s10 =	sld [smem:$0x3FBA];
	_ =	sdelay $0x3  }
0x34: {  	[smem:$0x3FBA] =	sst s10  }
0x35: {  	s10 =	sld [smem:$0x3FB9];
	_ =	sdelay $0x3  }
0x36: {  	p1 =	seq.s32 s10, $0x1;
	s10 =	sld [smem:$0x3FBA];
	_ =	sdelay $0x3  }
0x37: {  	[smem:$0x3FBA] =	sst s10  }
0x38: {  	s10 =	sld [smem:$0x3FBB]  }
0x39: {  	_ = 	snop;
	(pc) =	sbr.ind lr, $3  }
0x3a: {  	_ = 	snop  }
0x3b: {  	_ = 	snop  }
0x3c: {  	p2 =	seq.s32 s10, $0x1;
	s10 =	sld [smem:$0x3FBA]  }
0x3d: {  	_ =	shalt  }
0x3e: {  	_ =	shalt  }
0x3f: {  	_ =	shalt  }
0x40: {  	_ =	shalt  }
0x41: {  	_ =	shalt  }
0x42: {  	_ =	shalt  }
0x43: {  	_ =	shalt  }
0x44: {  	_ =	shalt  }
0x45: {  	_ =	shalt  }
0x46: {  	_ =	shalt  }
0x47: {  	_ =	shalt  }
0x48: {  	_ =	shalt  }
0x49: {  	_ =	shalt  }
0x4a: {  	_ =	shalt  }
0x4b: {  	_ =	shalt  }
0x4c: {  	_ =	shalt  }
0x4d: {  	_ =	shalt  }
0x4e: {  	_ =	shalt  }
0x4f: {  	_ =	shalt  }
0x50: {  	_ =	shalt  }
0x51: {  	_ =	shalt  }
0x52: {  	_ =	shalt  }
0x53: {  	_ =	shalt  }
0x54: {  	_ =	shalt  }
0x55: {  	_ =	shalt  }
0x56: {  	_ =	shalt  }
0x57: {  	_ =	shalt  }
0x58: {  	_ =	shalt  }
0x59: {  	_ =	shalt  }
0x5a: {  	_ =	shalt  }
0x5b: {  	_ =	shalt  }
0x5c: {  	_ =	shalt  }
0x5d: {  	_ =	shalt  }
0x5e: {  	_ =	shalt  }
0x5f: {  	_ =	shalt  }
0x60: {  	_ =	shalt  }
0x61: {  	_ =	shalt  }
0x62: {  	_ =	shalt  }
0x63: {  	_ =	shalt  }
0x64: {  	_ =	shalt  }
0x65: {  	_ =	shalt  }
0x66: {  	_ =	shalt  }
0x67: {  	_ =	shalt  }
0x68: {  	_ =	shalt  }
0x69: {  	_ =	shalt  }
0x6a: {  	_ =	shalt  }
0x6b: {  	_ =	shalt  }
0x6c: {  	_ =	shalt  }
0x6d: {  	_ =	shalt  }
0x6e: {  	_ =	shalt  }
0x6f: {  	_ =	shalt  }
0x70: {  	_ =	shalt  }
0x71: {  	_ =	shalt  }
0x72: {  	_ =	shalt  }
0x73: {  	_ =	shalt  }
0x74: {  	_ =	shalt  }
0x75: {  	_ =	shalt  }
0x76: {  	_ =	shalt  }
0x77: {  	_ =	shalt  }
0x78: {  	_ =	shalt  }
0x79: {  	_ =	shalt  }
0x7a: {  	_ =	shalt  }
0x7b: {  	_ =	shalt  }
0x7c: {  	_ =	shalt  }
0x7d: {  	_ =	shalt  }
0x7e: {  	_ =	shalt  }
0x7f: {  	_ =	shalt  }
0x80: {  	_ =	shalt  }
0x81: {  	_ =	shalt  }
0x82: {  	_ =	shalt  }
0x83: {  	_ =	shalt  }
0x84: {  	_ =	shalt  }
0x85: {  	_ =	shalt  }
0x86: {  	_ =	shalt  }
0x87: {  	_ =	shalt  }
.Lfunc_end0:
.L_simem_size_0:
called_computation_lowered:
.L_overlay_start_0:
0x88: {  	s2 =	sld [smem:$0x3FD9]  }
0x89: {  	s3 =	sld [smem:$0x3FFE];
	_ =	sdelay $0x1  }
0x8a: {  	s1 =	srdreg.scid  }
0x8b: {  	s0 =	sand.u32 $0x1, s1  }
0x8c: {  	s16 =	sshll.u32 s0, $0xA;
	s2 =	sadd.s32 s3, s2  }
0x8d: {  	s2 =	sadd.s32 s2, s16  }
0x8e: {  	[smem:$0x3FC6] =	sst s2  }
0x8f: {  	_ = 	snop  }
0x90: {  	(tm) =	ssettm $0x1  }
0x91: {  	s17 =	sld [smem:$0x3FFB];
	_ =	sdelay $0x3  }
0x92: {  	_ =	strace s17  }
0x93: {  	s2 =	sld [smem:$0x3FFC];
	_ =	sdelay $0x3  }
0x94: {  	_ =	strace s2  }
0x95: {  	s2 =	sld [smem:$0x3FFD];
	_ =	sdelay $0x3  }
0x96: {  	_ =	strace s2  }
0x97: {  	_ =	strace $0x8FFFFFFF  }
0x98: {  	s18 =	sld [smem:$0x3FDB];
	_ =	sdelay $0x1  }
0x99: {  	s19 =	simm.s32 $_scs_section_size  }
0x9a: {  	s4 =	simm.s32 $_size__tile_overlayer_lowered;
	s5 =	simm.s32 $_tile_overlayer_lowered  }
0x9b: {  	s22 =	simm.s32 $0x1BFF;
	s21 =	sshll.u32 s5, $0x1;
	s2 =	sadd.s32 s19, s18  }
0x9c: {  	s6 =	simm.s32 $0x0;
	s20 =	sshll.u32 s4, $0x1;
	s4 =	sadd.s32 s21, s2  }
0x9d: {  	[timem:s6], [sflag:s22] =	dma.local [hbm:s4], s20  }
0x9e: {  	_ =	swait.ge [sflag:s22], s20  }
0x9f: {  	s3 =	ssub.s32 $0x0, s20;
	[sflag:s22] =	ssyncset.done $0x0  }
0xa0: {  	[sflag:s22] =	ssyncadd.s32 s3;
	_ =	sdelay $0x1  }
0xa1: {  	s23 =	simm.s32 $0x1B8B  }
0xa2: {  	_ =	swait.ge [sflag:s23], $0x1  }
0xa3: {  	[sflag:s23] =	ssyncset.done $0x0  }
0xa4: {  	s25 =	simm.s32 $0x1B8E;
	s24 =	sld [smem:$0x3FFE];
	[sflag:s23] =	ssyncadd.s32 $0xFFFFFFFF  }
0xa5: {  	s26 =	simm.s32 $execute0_lowered;
	[smem:$0x3FD2] =	sst s25  }
0xa6: {  	s4 =	sshll.u32 s26, $0x1;
	_ =	strace $0x80000046;
	[dreg:$0x1] =	wrdreg $0xFFFFFFFF  }
0xa7: {  	s28 =	simm.s32 $_size_execute0_lowered;
	s2 =	sadd.s32 s2, s4;
	[dreg:$0x0] =	wrdreg $0x0  }
0xa8: {  	s4 =	sshll.u32 s28, $0x1;
	[dreg:$0x2] =	wrdreg s2  }
0xa9: {  	[dreg:$0x3] =	wrdreg s4  }
0xaa: {  	[dreg:$0x4] =	wrdreg $0xC0  }
0xab: {  	_ =	task [dreg:s6], $0x5FFFF  }
0xac: {  	[dreg:$0x1] =	wrdreg $0xFFFFFFFF  }
0xad: {  	[dreg:$0x0] =	wrdreg $0x60  }
0xae: {  	[dreg:$0x2] =	wrdreg s24  }
0xaf: {  	[dreg:$0x3] =	wrdreg $0x9  }
0xb0: {  	_ =	task.clear_ibuf [dreg:s6], $0x4FFFF;
	_ =	strace $0x90000046  }
0xb1: {  	s29 =	simm.s32 $0x9;
	_ =	strace $0x80000048  }
0xb2: {  	_ =	swait.ge [sflag:s29], $0x1  }
0xb3: {  	[sflag:s29] =	ssyncadd.s32 $0xFFFFFFFF  }
0xb4: {  	_ =	strace $0x90000048  }
0xb5: {  	_ =	sfence  }
0xb6: {  	s30 =	sld [smem:$0x0];
	_ =	sdelay $0x2  }
0xb7: {  	s31 =	sshll.u32 s1, $0xD;
	s1 =	sshrl.u32 s1, $0x2  }
0xb8: {  	s3 =	sand.u32 $0x4000, s31;
	s1 =	sadd.s32 s1, s30  }
0xb9: {  	s0 =	sor.u32 s3, s0;
	s1 =	sshll.u32 s1, $0x11  }
0xba: {  	s0 =	sor.u32 s1, s0  }
0xbb: {  	s0 =	sadd.s32 $0x8F2B, s0  }
0xbc: {  	[sflag:s0] =	ssyncadd.remote.s32 $0x1  }
0xbd: {  	_ =	sfence.sel $0xFFFF  }
0xbe: {  	[dreg:$0x0] =	wrdreg $0xFFFFFFFF;
	(pc) =	sbr.abs _section_cstart, $3  }
0xbf: {  	[dreg:$0x1] =	wrdreg $0xFFFFFFFF  }
0xc0: {  	_ =	task.clear_ibuf [dreg:s6], $0x2FFFF;
	_ =	strace $0x9FFFFFFF  }
0xc1: {  	(tm) =	ssettm $0x7FFFFFFF  }
tec
execute0_lowered:
.L_overlay_start_1:
0x0: {  	(tag) =	ssettag $0x1  }
0x1: {  	s3 =	rddreg [dreg:$0x0]  }
0x2: {  	s0 =	rddreg [dreg:$0x1];
	s4 =	srdreg.scid  }
0x3: {  	s1 =	stileid.u32;
	s2 =	simm.s32 $0x0;
	s9 =	simm.s32 $0x400  }
0x4: {  	s10 =	simm.s32 $0x2;
	s11 =	simm.s32 $0x0;
	s4 =	sand.u32 $0x1, s4  }
0x5: {  	s5 =	sshll.u32 s1, $0x1;
	[smem:$0x7FF] =	sst s2;
	s7 =	sshll.u32 s1, $0xB  }
0x6: {  	s5 =	sor.u32 s4, s5;
	_ =	strace $0x80000047;
	s7 =	sand.u32 $0x6000, s7  }
0x7: {  	s4 =	ssub.s32 $0x2, s4;
	s6 =	sshll.u32 s5, $0x9;
	s5 =	sshll.u32 s5, $0x4  }
0x8: {  	s7 =	sadd.s32 s7, s3;
	s8 =	sshrl.u32 s4, $0x1;
	s5 =	sand.u32 $0x70, s5  }
0x9: {  	s3 =	sadd.s32 s6, s3;
	s30 =	ssub.s32 s4, s8;
	s6 =	simm.s32 $0x1  }
0xa: {  	s8 =	simm.s32 $0x80;
	s31 =	sadd.s32 s5, s7;
	s3 =	sadd.s32 $0xE00, s3  }
0xb: {  	v0 =	vimm.f32 $0.0e+00;
	v1 =	vimm.f32 $1.000000000e+00;
	s5 =	smax.u32 s30, $0x1;
	s7 =	simm.s32 $0x1000;
	s4 =	sadd.s32 $0x20E00, s31  }
.LBB2_1:
0xc: {  	[tilespmem:s2], [sflag:$0x1] =	stream.linear.gather [hbm4b:s3+s2], $0x1000, $0x38;
	[tilespmem:$0x3000] =	vst v63  }
0xd: {  	s12 =	simm.s32 $0x0;
	s13 =	simm.s32 $0x200  }
.LBB2_2:
0xe: {  	p0 =	sne.s32 s13, $0x7E00;
	[tilespmem:s12+$0x1070] =	vst v0  }
0xf: {  	[tilespmem:s12+$0x1000] =	vst v0  }
0x10: {  	[tilespmem:s12+$0x1010] =	vst v0  }
.Ltmp0:
0x11: {  	[tilespmem:s12+$0x1020] =	vst v0;
	(pc) =	sbr.rel @p0 .LBB2_2-.Ltmp0, $4  }
0x12: {  	[tilespmem:s12+$0x1030] =	vst v0  }
0x13: {  	[tilespmem:s12+$0x1040] =	vst v0  }
0x14: {  	[tilespmem:s12+$0x1050] =	vst v0  }
0x15: {  	[tilespmem:s12+$0x1060] =	vst v0;
	s12 =	sshra.s32 s13, $0x2;
	s13 =	sadd.s32 $0x200, s13  }
0x16: {  	[tilespmem:s12+$0x1070] =	vst v0  }
0x17: {  	[tilespmem:s12+$0x1000] =	vst v0  }
0x18: {  	[tilespmem:s12+$0x1010] =	vst v0  }
0x19: {  	[tilespmem:s12+$0x1020] =	vst v0  }
0x1a: {  	[tilespmem:s12+$0x1030] =	vst v0  }
0x1b: {  	[tilespmem:s12+$0x1040] =	vst v0  }
0x1c: {  	[tilespmem:s12+$0x1050] =	vst v0  }
0x1d: {  	[tilespmem:s12+$0x1060] =	vst v0  }
0x1e: {  	_ =	swait.ge [sflag:s6], $0x1000  }
0x1f: {  	[sflag:s6] =	ssyncset.done $0x0  }
0x20: {  	s12 =	simm.s32 $0x0;
	[sflag:s6] =	ssyncadd.s32 $0xFFFFF000  }
.LBB2_4:
0x21: {  	s13 =	sshra.s32 s12, $0x2  }
0x22: {  	v2 =	vld [tilespmem:s13+$0x0];
	_ =	sdelay $0x4  }
0x23: {  	v2 =	vshrl.u32 v2, $0x3;
	_ =	sdelay $0x4  }
0x24: {  	[tilespmem:v2+s7+$0x0] =	vst.idx.add.f32.msk $0xffff, v1  }
0x25: {  	v2 =	vld [tilespmem:s13+$0x10];
	_ =	sdelay $0x4  }
0x26: {  	v2 =	vshrl.u32 v2, $0x3;
	_ =	sdelay $0x4  }
0x27: {  	[tilespmem:v2+s7+$0x0] =	vst.idx.add.f32.msk $0xffff, v1  }
0x28: {  	v2 =	vld [tilespmem:s13+$0x20];
	_ =	sdelay $0x4  }
0x29: {  	v2 =	vshrl.u32 v2, $0x3;
	_ =	sdelay $0x4  }
0x2a: {  	[tilespmem:v2+s7+$0x0] =	vst.idx.add.f32.msk $0xffff, v1  }
0x2b: {  	v2 =	vld [tilespmem:s13+$0x30];
	_ =	sdelay $0x4  }
0x2c: {  	v2 =	vshrl.u32 v2, $0x3;
	_ =	sdelay $0x4  }
0x2d: {  	[tilespmem:v2+s7+$0x0] =	vst.idx.add.f32.msk $0xffff, v1  }
0x2e: {  	v2 =	vld [tilespmem:s13+$0x40];
	_ =	sdelay $0x4  }
0x2f: {  	v2 =	vshrl.u32 v2, $0x3;
	_ =	sdelay $0x4  }
0x30: {  	[tilespmem:v2+s7+$0x0] =	vst.idx.add.f32.msk $0xffff, v1  }
0x31: {  	v2 =	vld [tilespmem:s13+$0x50];
	_ =	sdelay $0x4  }
0x32: {  	v2 =	vshrl.u32 v2, $0x3;
	_ =	sdelay $0x4  }
0x33: {  	[tilespmem:v2+s7+$0x0] =	vst.idx.add.f32.msk $0xffff, v1  }
0x34: {  	v2 =	vld [tilespmem:s13+$0x60];
	_ =	sdelay $0x4  }
0x35: {  	v2 =	vshrl.u32 v2, $0x3;
	_ =	sdelay $0x4  }
0x36: {  	[tilespmem:v2+s7+$0x0] =	vst.idx.add.f32.msk $0xffff, v1  }
0x37: {  	v2 =	vld [tilespmem:s13+$0x70];
	_ =	sdelay $0x4  }
0x38: {  	p0 =	sne.s32 s12, $0x3E00;
	v2 =	vshrl.u32 v2, $0x3  }
.Ltmp1:
0x39: {  	_ = 	snop;
	(pc) =	sbr.rel @p0 .LBB2_4-.Ltmp1, $2  }
0x3a: {  	_ =	sdelay $0x2  }
0x3b: {  	s12 =	sadd.s32 $0x200, s12;
	[tilespmem:v2+s7+$0x0] =	vst.idx.add.f32.msk $0xffff, v1  }
0x3c: {  	s11 =	sadd.s32 $0x1, s11  }
0x3d: {  	p0 =	sne.s32 s11, s5  }
.Ltmp2:
0x3e: {  	_ = 	snop;
	(pc) =	sbr.rel @p0 .LBB2_1-.Ltmp2, $4  }
0x3f: {  	[hbm4b:s4+s8] =	stream.strided.scatter [tilespmem:s7], [sflag:$0x2], $0x2000, s9, s8, $0x38;
	[tilespmem:$0x3000] =	vst v63  }
0x40: {  	_ =	swait.ge [sflag:s10], $0x2000  }
0x41: {  	[sflag:s10] =	ssyncset.done $0x0  }
0x42: {  	[sflag:s10] =	ssyncadd.s32 $0xFFFFE000  }
0x43: {  	_ =	sfence.sel $0x180000  }
0x44: {  	[bflag:$0x0] =	sbarrier.arrive $0xFFFF  }
0x45: {  	p0 =	sne.s32 s1, $0x0;
	_ =	strace $0x90000047  }
0x46: {  	s0 =	sadd.s32 @!p0 $0x100000, s0;
	[bflag:$0x2] =	sbarrier.arrive $0xFFFF  }
0x47: {  	[sflag:s0] =	ssyncadd.tile.s32 @!p0 $0x1;
	_ =	shalt  }
.Lfunc_end2:
_tile_overlayer_lowered:
.L_overlay_start_2:
0x48: {  	(tag) =	ssettag $0x2  }
0x49: {  	s0 =	rddreg [dreg:$0x0];
	s2 =	stileid.u32  }
0x4a: {  	s1 =	rddreg [dreg:$0x1];
	p0 =	sne.s32 s2, $0x0  }
0x4b: {  	s3 =	rddreg [dreg:$0x2];
	[bflag:$0x3] =	sbarrier.arrive $0xFFFF;
	s2 =	simm.s32 @!p0 $0x1C02  }
0x4c: {  	[timem:s3], [sflag:s2] =	dma.local @!p0 [hbm:s0], s1  }
0x4d: {  	s0 =	simm.s32 @!p0 $0x2  }
0x4e: {  	_ =	swait.ge @!p0 [sflag:s0], s1  }
0x4f: {  	s1 =	ssub.s32 @!p0 $0x0, s1;
	[sflag:s0] =	ssyncset.done @!p0 $0x0  }
0x50: {  	[sflag:s0] =	ssyncadd.s32 @!p0 s1  }
0x51: {  	[bflag:$0x3] =	sbarrier.arrive $0xFFFF  }
0x52: {  	_ =	shalt  }

</sc_bundles>
